<compile_context>
chip_gen: v7x
topology: tpu7x:2x2x1
jax: 0.10.2.dev20260603
libtpu: 0.0.44.dev20260713+nightly
codegen_flags: <defaults>
</compile_context>

<pallas_src>
import functools

import jax
import jax.numpy as jnp
from jax import lax
from jax.experimental import pallas as pl
from jax.experimental.pallas import tpu as pltpu
from jax.experimental.pallas import tpu_sc as plsc


_B = 16384
_F = 26
_V = 100000
_D = 16

_NC = 2
_NS = 16
_NW = _NC * _NS

_NFD = _F * _D
_TPW = _NFD // _NW
_QB = _B // 4
_LOOKS = _QB // 16


def _build_gather():
    mesh = plsc.VectorSubcoreMesh(core_axis_name="c", subcore_axis_name="s")

    @functools.partial(
        pl.kernel,
        mesh=mesh,
        out_type=jax.ShapeDtypeStruct((_NFD, _B), jnp.float32),
        scratch_types=[
            pltpu.VMEM((_V,), jnp.float32),
            pltpu.VMEM((_QB,), jnp.int32),
            pltpu.VMEM((_QB,), jnp.float32),
            pltpu.SemaphoreType.DMA,
        ],
        compiler_params=pltpu.CompilerParams(
            use_tc_tiling_on_sc=True, needs_layout_passes=False
        ),
    )
    def gather_t(tab_hbm, xt_hbm, out_hbm, voc_v, idx_v, row_v, sem):
        wid = lax.axis_index("s") * _NC + lax.axis_index("c")

        def task(t, carry):
            fd = wid * _TPW + t
            f = fd // _D
            d = fd % _D
            pltpu.sync_copy(tab_hbm.at[f, d], voc_v)

            def quarter(q, c1):
                pltpu.sync_copy(xt_hbm.at[f, pl.ds(q * _QB, _QB)], idx_v)

                @pl.loop(0, _LOOKS, unroll=16)
                def look(i):
                    iv = idx_v[pl.ds(i * 16, 16)]
                    row_v[pl.ds(i * 16, 16)] = plsc.load_gather(voc_v, [iv])
                pltpu.sync_copy(row_v, out_hbm.at[fd, pl.ds(q * _QB, _QB)])
                return c1

            lax.fori_loop(0, 4, quarter, 0)
            return carry

        lax.fori_loop(0, _TPW, task, 0)

    return gather_t


_gather_t = _build_gather()


def kernel(x, tables):
    batch, num_fields = x.shape
    tab_t = jnp.transpose(tables, (0, 2, 1))
    x_t = jnp.transpose(x, (1, 0)).astype(jnp.int32)
    out = _gather_t(tab_t, x_t)
    return jnp.transpose(out, (1, 0)).reshape(batch, num_fields * _D)

# --- scband reference (transcript-rebuilt; emitter-appended) ---
"""Pipeline reference for scband-embedding-layer-163208757908 (READ-ONLY COPY).

The authoritative reference and input builder live on the scoring server;
editing this copy changes nothing except your own understanding.
"""

import jax, jax.numpy as jnp
import numpy as np

BATCH = 16384
NUM_FIELDS = 26
VOCAB = 100000
EMBED_DIM = 16


def setup_inputs(seed: int = 0) -> dict:
    key = jax.random.key(seed)
    kx, kt = jax.random.split(key)
    x = jax.random.randint(kx, (BATCH, NUM_FIELDS), 0, VOCAB)
    # One embedding table per sparse field (embeddings_dict in the original module),
    # stacked into a single [F, vocab, embed_dim] parameter array.
    tables = jax.random.normal(kt, (NUM_FIELDS, VOCAB, EMBED_DIM), dtype=jnp.float32) * 0.01
    return {"x": x, "tables": tables}


def reference(x, tables):
    # Faithful translation: per-field embedding lookup on x[:, i].unsqueeze(1),
    # concat over fields (dim=1), then flatten to [batch, F*embed_dim].
    batch_size = x.shape[0]
    num_fields = tables.shape[0]
    embedded_features = []
    for i in range(num_fields):
        col_idx = x[:, i][:, None]                      # [B, 1], like unsqueeze(1)
        emb = jnp.take(tables[i], col_idx, axis=0)      # [B, 1, D]
        embedded_features.append(emb)
    embedded_input_tensor = jnp.concatenate(embedded_features, axis=1)  # [B, F, D]
    return embedded_input_tensor.reshape(batch_size, -1)               # [B, F*D]

if __name__ == "__main__":
    import jax
    _d = setup_inputs()
    print(jax.jit(kernel)(*tuple(_d.values())))

</pallas_src>

<mosaic_0001>
#map = affine_map<(d0, d1) -> (0, 0, 0)>
#map1 = affine_map<(d0, d1) -> (0, 0)>
module attributes {stable_mosaic.version = 14 : i64} {
  func.func @gather_t(%arg0: i32, %arg1: i32, %arg2: memref<26x16x100000xf32, #tpu.memory_space<hbm>>, %arg3: memref<26x16384xi32, #tpu.memory_space<hbm>>, %arg4: memref<416x16384xf32, #tpu.memory_space<hbm>>, %arg5: memref<100000xf32, #tpu.memory_space<vmem>>, %arg6: memref<4096xi32, #tpu.memory_space<vmem>>, %arg7: memref<4096xf32, #tpu.memory_space<vmem>>, %arg8: memref<!tpu.dma_semaphore, #tpu.memory_space<semaphore_mem>>) attributes {dimension_semantics = [#tpu.dimension_semantics<core_parallel>, #tpu.dimension_semantics<subcore_parallel>], iteration_bounds = array<i64: 2, 16>, scalar_prefetch = 0 : i64, scratch_operands = 4 : i64, tpu.core_type = #tpu.core_type<sc_vector_subcore>, window_params = [{transform_indices = #map}, {transform_indices = #map1}, {transform_indices = #map1}]} {
    %mul3A = arith.constant 2 : i32
    %mul3A_0 = arith.muli %arg1, %mul3A : i32
    %add3A = arith.addi %mul3A_0, %arg0 : i32
    %scan3A = arith.constant 0 : i32
    %scan3A_1 = arith.constant 0 : i32
    %scan3A_2 = arith.constant 13 : i32
    %scan3A_3 = arith.addi %scan3A_1, %scan3A_2 : i32
    %scan3A_4 = arith.constant 1 : i32
    scf.for %scan3A_6 = %scan3A_1 to %scan3A_3 step %scan3A_4  : i32 {
      %mul3A_7 = arith.constant 13 : i32
      %mul3A_8 = arith.muli %add3A, %mul3A_7 : i32
      %add3A_9 = arith.addi %mul3A_8, %scan3A_6 : i32
      %jit3A = arith.constant 16 : i32
      %div3A = arith.divsi %add3A_9, %jit3A : i32
      %sign3A = arith.constant 0 : i32
      %sign3A_10 = arith.cmpi sgt, %add3A_9, %sign3A : i32
      %sign3A_11 = arith.extui %sign3A_10 : i1 to i32
      %sign3A_12 = arith.constant 0 : i32
      %sign3A_13 = arith.cmpi slt, %add3A_9, %sign3A_12 : i32
      %sign3A_14 = arith.extui %sign3A_13 : i1 to i32
      %sign3A_15 = arith.subi %sign3A_11, %sign3A_14 : i32
      %sign3A_16 = arith.constant 0 : i32
      %sign3A_17 = arith.cmpi sgt, %jit3A, %sign3A_16 : i32
      %sign3A_18 = arith.extui %sign3A_17 : i1 to i32
      %sign3A_19 = arith.constant 0 : i32
      %sign3A_20 = arith.cmpi slt, %jit3A, %sign3A_19 : i32
      %sign3A_21 = arith.extui %sign3A_20 : i1 to i32
      %sign3A_22 = arith.subi %sign3A_18, %sign3A_21 : i32
      %ne3A = arith.cmpi ne, %sign3A_15, %sign3A_22 : i32
      %rem3A = arith.remsi %add3A_9, %jit3A : i32
      %ne3A_23 = arith.constant 0 : i32
      %ne3A_24 = arith.cmpi ne, %rem3A, %ne3A_23 : i32
      %and3A = arith.andi %ne3A, %ne3A_24 : i1
      %sub3A = arith.constant 1 : i32
      %sub3A_25 = arith.subi %div3A, %sub3A : i32
      %select_n3A = arith.select %and3A, %sub3A_25, %div3A : i32
      %jit3A_26 = arith.constant 16 : i32
      %eq3A = arith.constant 0 : i32
      %eq3A_27 = arith.cmpi eq, %jit3A_26, %eq3A : i32
      %jit3A_28 = arith.constant 1 : i32
      %select_n3A_29 = arith.select %eq3A_27, %jit3A_28, %jit3A_26 : i32
      %rem3A_30 = arith.remsi %add3A_9, %select_n3A_29 : i32
      %ne3A_31 = arith.constant 0 : i32
      %ne3A_32 = arith.cmpi ne, %rem3A_30, %ne3A_31 : i32
      %lt3A = arith.constant 0 : i32
      %lt3A_33 = arith.cmpi slt, %rem3A_30, %lt3A : i32
      %lt3A_34 = arith.constant 0 : i32
      %lt3A_35 = arith.cmpi slt, %select_n3A_29, %lt3A_34 : i32
      %ne3A_36 = arith.xori %lt3A_33, %lt3A_35 : i1
      %and3A_37 = arith.andi %ne3A_36, %ne3A_32 : i1
      %add3A_38 = arith.addi %rem3A_30, %select_n3A_29 : i32
      %select_n3A_39 = arith.select %and3A_37, %add3A_38, %rem3A_30 : i32
      "tpu.region"() ({
        %run_scoped3A = tpu.sem_alloc : memref<!tpu.dma_semaphore, #tpu.memory_space<semaphore_mem>>
        %dma_start3A = arith.constant 0 : i32
        %dma_start3A_46 = tpu.memref_slice %arg2[%select_n3A, %select_n3A_39, %dma_start3A] : memref<26x16x100000xf32, #tpu.memory_space<hbm>> -> memref<1x1x100000xf32, #tpu.memory_space<hbm>>
        %dma_start3A_47 = tpu.memref_squeeze %dma_start3A_46 : memref<1x1x100000xf32, #tpu.memory_space<hbm>> -> memref<100000xf32, #tpu.memory_space<hbm>>
        %dma_start3A_48 = arith.constant 0 : i32
        %dma_start3A_49 = tpu.memref_slice %arg2[%select_n3A, %select_n3A_39, %dma_start3A_48] : memref<26x16x100000xf32, #tpu.memory_space<hbm>> -> memref<1x1x100000xf32, #tpu.memory_space<hbm>>
        %dma_start3A_50 = tpu.memref_squeeze %dma_start3A_49 : memref<1x1x100000xf32, #tpu.memory_space<hbm>> -> memref<100000xf32, #tpu.memory_space<hbm>>
        tpu.enqueue_dma source(%dma_start3A_50 : memref<100000xf32, #tpu.memory_space<hbm>>) target(%arg5 : memref<100000xf32, #tpu.memory_space<vmem>>) target_semaphore(%run_scoped3A : memref<!tpu.dma_semaphore, #tpu.memory_space<semaphore_mem>>)
        %dma_wait3A = arith.constant 0 : i32
        %dma_wait3A_51 = tpu.memref_slice %arg2[%select_n3A, %select_n3A_39, %dma_wait3A] : memref<26x16x100000xf32, #tpu.memory_space<hbm>> -> memref<1x1x100000xf32, #tpu.memory_space<hbm>>
        %dma_wait3A_52 = tpu.memref_squeeze %dma_wait3A_51 : memref<1x1x100000xf32, #tpu.memory_space<hbm>> -> memref<100000xf32, #tpu.memory_space<hbm>>
        %dma_wait3A_53 = arith.constant 0 : i32
        %dma_wait3A_54 = tpu.memref_slice %arg2[%select_n3A, %select_n3A_39, %dma_wait3A_53] : memref<26x16x100000xf32, #tpu.memory_space<hbm>> -> memref<1x1x100000xf32, #tpu.memory_space<hbm>>
        %dma_wait3A_55 = tpu.memref_squeeze %dma_wait3A_54 : memref<1x1x100000xf32, #tpu.memory_space<hbm>> -> memref<100000xf32, #tpu.memory_space<hbm>>
        tpu.wait_dma2 semaphore(%run_scoped3A : memref<!tpu.dma_semaphore, #tpu.memory_space<semaphore_mem>>) src(%dma_wait3A_55 : memref<100000xf32, #tpu.memory_space<hbm>>) dst(%arg5 : memref<100000xf32, #tpu.memory_space<vmem>>)
        tpu.yield
      }) : () -> ()
      %scan3A_40 = arith.constant 0 : i32
      %scan3A_41 = arith.constant 0 : i32
      %scan3A_42 = arith.constant 4 : i32
      %scan3A_43 = arith.addi %scan3A_41, %scan3A_42 : i32
      %scan3A_44 = arith.constant 1 : i32
      scf.for %scan3A_46 = %scan3A_41 to %scan3A_43 step %scan3A_44  : i32 {
        %mul3A_47 = arith.constant 4096 : i32
        %mul3A_48 = arith.muli %scan3A_46, %mul3A_47 : i32
        "tpu.region"() ({
          %run_scoped3A = tpu.sem_alloc : memref<!tpu.dma_semaphore, #tpu.memory_space<semaphore_mem>>
          %dma_start3A = tpu.memref_slice %arg3[%select_n3A, %mul3A_48] : memref<26x16384xi32, #tpu.memory_space<hbm>> -> memref<1x4096xi32, #tpu.memory_space<hbm>>
          %dma_start3A_56 = tpu.memref_squeeze %dma_start3A : memref<1x4096xi32, #tpu.memory_space<hbm>> -> memref<4096xi32, #tpu.memory_space<hbm>>
          %dma_start3A_57 = tpu.memref_slice %arg3[%select_n3A, %mul3A_48] : memref<26x16384xi32, #tpu.memory_space<hbm>> -> memref<1x4096xi32, #tpu.memory_space<hbm>>
          %dma_start3A_58 = tpu.memref_squeeze %dma_start3A_57 : memref<1x4096xi32, #tpu.memory_space<hbm>> -> memref<4096xi32, #tpu.memory_space<hbm>>
          tpu.enqueue_dma source(%dma_start3A_58 : memref<4096xi32, #tpu.memory_space<hbm>>) target(%arg6 : memref<4096xi32, #tpu.memory_space<vmem>>) target_semaphore(%run_scoped3A : memref<!tpu.dma_semaphore, #tpu.memory_space<semaphore_mem>>)
          %dma_wait3A = tpu.memref_slice %arg3[%select_n3A, %mul3A_48] : memref<26x16384xi32, #tpu.memory_space<hbm>> -> memref<1x4096xi32, #tpu.memory_space<hbm>>
          %dma_wait3A_59 = tpu.memref_squeeze %dma_wait3A : memref<1x4096xi32, #tpu.memory_space<hbm>> -> memref<4096xi32, #tpu.memory_space<hbm>>
          %dma_wait3A_60 = tpu.memref_slice %arg3[%select_n3A, %mul3A_48] : memref<26x16384xi32, #tpu.memory_space<hbm>> -> memref<1x4096xi32, #tpu.memory_space<hbm>>
          %dma_wait3A_61 = tpu.memref_squeeze %dma_wait3A_60 : memref<1x4096xi32, #tpu.memory_space<hbm>> -> memref<4096xi32, #tpu.memory_space<hbm>>
          tpu.wait_dma2 semaphore(%run_scoped3A : memref<!tpu.dma_semaphore, #tpu.memory_space<semaphore_mem>>) src(%dma_wait3A_61 : memref<4096xi32, #tpu.memory_space<hbm>>) dst(%arg6 : memref<4096xi32, #tpu.memory_space<vmem>>)
          tpu.yield
        }) : () -> ()
        %scan3A_49 = arith.constant 0 : i32
        %scan3A_50 = arith.constant 256 : i32
        %scan3A_51 = arith.addi %scan3A_49, %scan3A_50 : i32
        %scan3A_52 = arith.constant 16 : i32
        scf.for %scan3A_56 = %scan3A_49 to %scan3A_51 step %scan3A_52  : i32 {
          %mul3A_57 = arith.constant 1 : i32
          %mul3A_58 = arith.muli %scan3A_56, %mul3A_57 : i32
          %add3A_59 = arith.constant 0 : i32
          %add3A_60 = arith.addi %add3A_59, %mul3A_58 : i32
          %mul3A_61 = arith.constant 16 : i32
          %mul3A_62 = arith.muli %add3A_60, %mul3A_61 : i32
          %get3A = arith.index_cast %mul3A_62 : i32 to index
          %get3A_63 = tpu.vector_load %arg6[%get3A] {strides = array<i32>} : memref<4096xi32, #tpu.memory_space<vmem>>, vector<16xi32>,
          %gather3A = tpu.vector_load_idx %arg5[%get3A_63] : memref<100000xf32, #tpu.memory_space<vmem>>[vector<16xi32>], vector<16xf32>,
          %mul3A_64 = arith.constant 16 : i32
          %mul3A_65 = arith.muli %add3A_60, %mul3A_64 : i32
          %swap3A = arith.index_cast %mul3A_65 : i32 to index
          %swap3A_66 = tpu.vector_load %arg7[%swap3A] {strides = array<i32>} : memref<4096xf32, #tpu.memory_space<vmem>>, vector<16xf32>,
          tpu.vector_store %arg7[%swap3A], %gather3A {strides = array<i32>} : memref<4096xf32, #tpu.memory_space<vmem>>, vector<16xf32>,
          %scan3A_67 = arith.constant 1 : i32
          %scan3A_68 = arith.addi %scan3A_56, %scan3A_67 : i32
          %mul3A_69 = arith.constant 1 : i32
          %mul3A_70 = arith.muli %scan3A_68, %mul3A_69 : i32
          %add3A_71 = arith.constant 0 : i32
          %add3A_72 = arith.addi %add3A_71, %mul3A_70 : i32
          %mul3A_73 = arith.constant 16 : i32
          %mul3A_74 = arith.muli %add3A_72, %mul3A_73 : i32
          %get3A_75 = arith.index_cast %mul3A_74 : i32 to index
          %get3A_76 = tpu.vector_load %arg6[%get3A_75] {strides = array<i32>} : memref<4096xi32, #tpu.memory_space<vmem>>, vector<16xi32>,
          %gather3A_77 = tpu.vector_load_idx %arg5[%get3A_76] : memref<100000xf32, #tpu.memory_space<vmem>>[vector<16xi32>], vector<16xf32>,
          %mul3A_78 = arith.constant 16 : i32
          %mul3A_79 = arith.muli %add3A_72, %mul3A_78 : i32
          %swap3A_80 = arith.index_cast %mul3A_79 : i32 to index
          %swap3A_81 = tpu.vector_load %arg7[%swap3A_80] {strides = array<i32>} : memref<4096xf32, #tpu.memory_space<vmem>>, vector<16xf32>,
          tpu.vector_store %arg7[%swap3A_80], %gather3A_77 {strides = array<i32>} : memref<4096xf32, #tpu.memory_space<vmem>>, vector<16xf32>,
          %scan3A_82 = arith.constant 2 : i32
          %scan3A_83 = arith.addi %scan3A_56, %scan3A_82 : i32
          %mul3A_84 = arith.constant 1 : i32
          %mul3A_85 = arith.muli %scan3A_83, %mul3A_84 : i32
          %add3A_86 = arith.constant 0 : i32
          %add3A_87 = arith.addi %add3A_86, %mul3A_85 : i32
          %mul3A_88 = arith.constant 16 : i32
          %mul3A_89 = arith.muli %add3A_87, %mul3A_88 : i32
          %get3A_90 = arith.index_cast %mul3A_89 : i32 to index
          %get3A_91 = tpu.vector_load %arg6[%get3A_90] {strides = array<i32>} : memref<4096xi32, #tpu.memory_space<vmem>>, vector<16xi32>,
          %gather3A_92 = tpu.vector_load_idx %arg5[%get3A_91] : memref<100000xf32, #tpu.memory_space<vmem>>[vector<16xi32>], vector<16xf32>,
          %mul3A_93 = arith.constant 16 : i32
          %mul3A_94 = arith.muli %add3A_87, %mul3A_93 : i32
          %swap3A_95 = arith.index_cast %mul3A_94 : i32 to index
          %swap3A_96 = tpu.vector_load %arg7[%swap3A_95] {strides = array<i32>} : memref<4096xf32, #tpu.memory_space<vmem>>, vector<16xf32>,
          tpu.vector_store %arg7[%swap3A_95], %gather3A_92 {strides = array<i32>} : memref<4096xf32, #tpu.memory_space<vmem>>, vector<16xf32>,
          %scan3A_97 = arith.constant 3 : i32
          %scan3A_98 = arith.addi %scan3A_56, %scan3A_97 : i32
          %mul3A_99 = arith.constant 1 : i32
          %mul3A_100 = arith.muli %scan3A_98, %mul3A_99 : i32
          %add3A_101 = arith.constant 0 : i32
          %add3A_102 = arith.addi %add3A_101, %mul3A_100 : i32
          %mul3A_103 = arith.constant 16 : i32
          %mul3A_104 = arith.muli %add3A_102, %mul3A_103 : i32
          %get3A_105 = arith.index_cast %mul3A_104 : i32 to index
          %get3A_106 = tpu.vector_load %arg6[%get3A_105] {strides = array<i32>} : memref<4096xi32, #tpu.memory_space<vmem>>, vector<16xi32>,
          %gather3A_107 = tpu.vector_load_idx %arg5[%get3A_106] : memref<100000xf32, #tpu.memory_space<vmem>>[vector<16xi32>], vector<16xf32>,
          %mul3A_108 = arith.constant 16 : i32
          %mul3A_109 = arith.muli %add3A_102, %mul3A_108 : i32
          %swap3A_110 = arith.index_cast %mul3A_109 : i32 to index
          %swap3A_111 = tpu.vector_load %arg7[%swap3A_110] {strides = array<i32>} : memref<4096xf32, #tpu.memory_space<vmem>>, vector<16xf32>,
          tpu.vector_store %arg7[%swap3A_110], %gather3A_107 {strides = array<i32>} : memref<4096xf32, #tpu.memory_space<vmem>>, vector<16xf32>,
          %scan3A_112 = arith.constant 4 : i32
          %scan3A_113 = arith.addi %scan3A_56, %scan3A_112 : i32
          %mul3A_114 = arith.constant 1 : i32
          %mul3A_115 = arith.muli %scan3A_113, %mul3A_114 : i32
          %add3A_116 = arith.constant 0 : i32
          %add3A_117 = arith.addi %add3A_116, %mul3A_115 : i32
          %mul3A_118 = arith.constant 16 : i32
          %mul3A_119 = arith.muli %add3A_117, %mul3A_118 : i32
          %get3A_120 = arith.index_cast %mul3A_119 : i32 to index
          %get3A_121 = tpu.vector_load %arg6[%get3A_120] {strides = array<i32>} : memref<4096xi32, #tpu.memory_space<vmem>>, vector<16xi32>,
          %gather3A_122 = tpu.vector_load_idx %arg5[%get3A_121] : memref<100000xf32, #tpu.memory_space<vmem>>[vector<16xi32>], vector<16xf32>,
          %mul3A_123 = arith.constant 16 : i32
          %mul3A_124 = arith.muli %add3A_117, %mul3A_123 : i32
          %swap3A_125 = arith.index_cast %mul3A_124 : i32 to index
          %swap3A_126 = tpu.vector_load %arg7[%swap3A_125] {strides = array<i32>} : memref<4096xf32, #tpu.memory_space<vmem>>, vector<16xf32>,
          tpu.vector_store %arg7[%swap3A_125], %gather3A_122 {strides = array<i32>} : memref<4096xf32, #tpu.memory_space<vmem>>, vector<16xf32>,
          %scan3A_127 = arith.constant 5 : i32
          %scan3A_128 = arith.addi %scan3A_56, %scan3A_127 : i32
          %mul3A_129 = arith.constant 1 : i32
          %mul3A_130 = arith.muli %scan3A_128, %mul3A_129 : i32
          %add3A_131 = arith.constant 0 : i32
          %add3A_132 = arith.addi %add3A_131, %mul3A_130 : i32
          %mul3A_133 = arith.constant 16 : i32
          %mul3A_134 = arith.muli %add3A_132, %mul3A_133 : i32
          %get3A_135 = arith.index_cast %mul3A_134 : i32 to index
          %get3A_136 = tpu.vector_load %arg6[%get3A_135] {strides = array<i32>} : memref<4096xi32, #tpu.memory_space<vmem>>, vector<16xi32>,
          %gather3A_137 = tpu.vector_load_idx %arg5[%get3A_136] : memref<100000xf32, #tpu.memory_space<vmem>>[vector<16xi32>], vector<16xf32>,
          %mul3A_138 = arith.constant 16 : i32
          %mul3A_139 = arith.muli %add3A_132, %mul3A_138 : i32
          %swap3A_140 = arith.index_cast %mul3A_139 : i32 to index
          %swap3A_141 = tpu.vector_load %arg7[%swap3A_140] {strides = array<i32>} : memref<4096xf32, #tpu.memory_space<vmem>>, vector<16xf32>,
          tpu.vector_store %arg7[%swap3A_140], %gather3A_137 {strides = array<i32>} : memref<4096xf32, #tpu.memory_space<vmem>>, vector<16xf32>,
          %scan3A_142 = arith.constant 6 : i32
          %scan3A_143 = arith.addi %scan3A_56, %scan3A_142 : i32
          %mul3A_144 = arith.constant 1 : i32
          %mul3A_145 = arith.muli %scan3A_143, %mul3A_144 : i32
          %add3A_146 = arith.constant 0 : i32
          %add3A_147 = arith.addi %add3A_146, %mul3A_145 : i32
          %mul3A_148 = arith.constant 16 : i32
          %mul3A_149 = arith.muli %add3A_147, %mul3A_148 : i32
          %get3A_150 = arith.index_cast %mul3A_149 : i32 to index
          %get3A_151 = tpu.vector_load %arg6[%get3A_150] {strides = array<i32>} : memref<4096xi32, #tpu.memory_space<vmem>>, vector<16xi32>,
          %gather3A_152 = tpu.vector_load_idx %arg5[%get3A_151] : memref<100000xf32, #tpu.memory_space<vmem>>[vector<16xi32>], vector<16xf32>,
          %mul3A_153 = arith.constant 16 : i32
          %mul3A_154 = arith.muli %add3A_147, %mul3A_153 : i32
          %swap3A_155 = arith.index_cast %mul3A_154 : i32 to index
          %swap3A_156 = tpu.vector_load %arg7[%swap3A_155] {strides = array<i32>} : memref<4096xf32, #tpu.memory_space<vmem>>, vector<16xf32>,
          tpu.vector_store %arg7[%swap3A_155], %gather3A_152 {strides = array<i32>} : memref<4096xf32, #tpu.memory_space<vmem>>, vector<16xf32>,
          %scan3A_157 = arith.constant 7 : i32
          %scan3A_158 = arith.addi %scan3A_56, %scan3A_157 : i32
          %mul3A_159 = arith.constant 1 : i32
          %mul3A_160 = arith.muli %scan3A_158, %mul3A_159 : i32
          %add3A_161 = arith.constant 0 : i32
          %add3A_162 = arith.addi %add3A_161, %mul3A_160 : i32
          %mul3A_163 = arith.constant 16 : i32
          %mul3A_164 = arith.muli %add3A_162, %mul3A_163 : i32
          %get3A_165 = arith.index_cast %mul3A_164 : i32 to index
          %get3A_166 = tpu.vector_load %arg6[%get3A_165] {strides = array<i32>} : memref<4096xi32, #tpu.memory_space<vmem>>, vector<16xi32>,
          %gather3A_167 = tpu.vector_load_idx %arg5[%get3A_166] : memref<100000xf32, #tpu.memory_space<vmem>>[vector<16xi32>], vector<16xf32>,
          %mul3A_168 = arith.constant 16 : i32
          %mul3A_169 = arith.muli %add3A_162, %mul3A_168 : i32
          %swap3A_170 = arith.index_cast %mul3A_169 : i32 to index
          %swap3A_171 = tpu.vector_load %arg7[%swap3A_170] {strides = array<i32>} : memref<4096xf32, #tpu.memory_space<vmem>>, vector<16xf32>,
          tpu.vector_store %arg7[%swap3A_170], %gather3A_167 {strides = array<i32>} : memref<4096xf32, #tpu.memory_space<vmem>>, vector<16xf32>,
          %scan3A_172 = arith.constant 8 : i32
          %scan3A_173 = arith.addi %scan3A_56, %scan3A_172 : i32
          %mul3A_174 = arith.constant 1 : i32
          %mul3A_175 = arith.muli %scan3A_173, %mul3A_174 : i32
          %add3A_176 = arith.constant 0 : i32
          %add3A_177 = arith.addi %add3A_176, %mul3A_175 : i32
          %mul3A_178 = arith.constant 16 : i32
          %mul3A_179 = arith.muli %add3A_177, %mul3A_178 : i32
          %get3A_180 = arith.index_cast %mul3A_179 : i32 to index
          %get3A_181 = tpu.vector_load %arg6[%get3A_180] {strides = array<i32>} : memref<4096xi32, #tpu.memory_space<vmem>>, vector<16xi32>,
          %gather3A_182 = tpu.vector_load_idx %arg5[%get3A_181] : memref<100000xf32, #tpu.memory_space<vmem>>[vector<16xi32>], vector<16xf32>,
          %mul3A_183 = arith.constant 16 : i32
          %mul3A_184 = arith.muli %add3A_177, %mul3A_183 : i32
          %swap3A_185 = arith.index_cast %mul3A_184 : i32 to index
          %swap3A_186 = tpu.vector_load %arg7[%swap3A_185] {strides = array<i32>} : memref<4096xf32, #tpu.memory_space<vmem>>, vector<16xf32>,
          tpu.vector_store %arg7[%swap3A_185], %gather3A_182 {strides = array<i32>} : memref<4096xf32, #tpu.memory_space<vmem>>, vector<16xf32>,
          %scan3A_187 = arith.constant 9 : i32
          %scan3A_188 = arith.addi %scan3A_56, %scan3A_187 : i32
          %mul3A_189 = arith.constant 1 : i32
          %mul3A_190 = arith.muli %scan3A_188, %mul3A_189 : i32
          %add3A_191 = arith.constant 0 : i32
          %add3A_192 = arith.addi %add3A_191, %mul3A_190 : i32
          %mul3A_193 = arith.constant 16 : i32
          %mul3A_194 = arith.muli %add3A_192, %mul3A_193 : i32
          %get3A_195 = arith.index_cast %mul3A_194 : i32 to index
          %get3A_196 = tpu.vector_load %arg6[%get3A_195] {strides = array<i32>} : memref<4096xi32, #tpu.memory_space<vmem>>, vector<16xi32>,
          %gather3A_197 = tpu.vector_load_idx %arg5[%get3A_196] : memref<100000xf32, #tpu.memory_space<vmem>>[vector<16xi32>], vector<16xf32>,
          %mul3A_198 = arith.constant 16 : i32
          %mul3A_199 = arith.muli %add3A_192, %mul3A_198 : i32
          %swap3A_200 = arith.index_cast %mul3A_199 : i32 to index
          %swap3A_201 = tpu.vector_load %arg7[%swap3A_200] {strides = array<i32>} : memref<4096xf32, #tpu.memory_space<vmem>>, vector<16xf32>,
          tpu.vector_store %arg7[%swap3A_200], %gather3A_197 {strides = array<i32>} : memref<4096xf32, #tpu.memory_space<vmem>>, vector<16xf32>,
          %scan3A_202 = arith.constant 10 : i32
          %scan3A_203 = arith.addi %scan3A_56, %scan3A_202 : i32
          %mul3A_204 = arith.constant 1 : i32
          %mul3A_205 = arith.muli %scan3A_203, %mul3A_204 : i32
          %add3A_206 = arith.constant 0 : i32
          %add3A_207 = arith.addi %add3A_206, %mul3A_205 : i32
          %mul3A_208 = arith.constant 16 : i32
          %mul3A_209 = arith.muli %add3A_207, %mul3A_208 : i32
          %get3A_210 = arith.index_cast %mul3A_209 : i32 to index
          %get3A_211 = tpu.vector_load %arg6[%get3A_210] {strides = array<i32>} : memref<4096xi32, #tpu.memory_space<vmem>>, vector<16xi32>,
          %gather3A_212 = tpu.vector_load_idx %arg5[%get3A_211] : memref<100000xf32, #tpu.memory_space<vmem>>[vector<16xi32>], vector<16xf32>,
          %mul3A_213 = arith.constant 16 : i32
          %mul3A_214 = arith.muli %add3A_207, %mul3A_213 : i32
          %swap3A_215 = arith.index_cast %mul3A_214 : i32 to index
          %swap3A_216 = tpu.vector_load %arg7[%swap3A_215] {strides = array<i32>} : memref<4096xf32, #tpu.memory_space<vmem>>, vector<16xf32>,
          tpu.vector_store %arg7[%swap3A_215], %gather3A_212 {strides = array<i32>} : memref<4096xf32, #tpu.memory_space<vmem>>, vector<16xf32>,
          %scan3A_217 = arith.constant 11 : i32
          %scan3A_218 = arith.addi %scan3A_56, %scan3A_217 : i32
          %mul3A_219 = arith.constant 1 : i32
          %mul3A_220 = arith.muli %scan3A_218, %mul3A_219 : i32
          %add3A_221 = arith.constant 0 : i32
          %add3A_222 = arith.addi %add3A_221, %mul3A_220 : i32
          %mul3A_223 = arith.constant 16 : i32
          %mul3A_224 = arith.muli %add3A_222, %mul3A_223 : i32
          %get3A_225 = arith.index_cast %mul3A_224 : i32 to index
          %get3A_226 = tpu.vector_load %arg6[%get3A_225] {strides = array<i32>} : memref<4096xi32, #tpu.memory_space<vmem>>, vector<16xi32>,
          %gather3A_227 = tpu.vector_load_idx %arg5[%get3A_226] : memref<100000xf32, #tpu.memory_space<vmem>>[vector<16xi32>], vector<16xf32>,
          %mul3A_228 = arith.constant 16 : i32
          %mul3A_229 = arith.muli %add3A_222, %mul3A_228 : i32
          %swap3A_230 = arith.index_cast %mul3A_229 : i32 to index
          %swap3A_231 = tpu.vector_load %arg7[%swap3A_230] {strides = array<i32>} : memref<4096xf32, #tpu.memory_space<vmem>>, vector<16xf32>,
          tpu.vector_store %arg7[%swap3A_230], %gather3A_227 {strides = array<i32>} : memref<4096xf32, #tpu.memory_space<vmem>>, vector<16xf32>,
          %scan3A_232 = arith.constant 12 : i32
          %scan3A_233 = arith.addi %scan3A_56, %scan3A_232 : i32
          %mul3A_234 = arith.constant 1 : i32
          %mul3A_235 = arith.muli %scan3A_233, %mul3A_234 : i32
          %add3A_236 = arith.constant 0 : i32
          %add3A_237 = arith.addi %add3A_236, %mul3A_235 : i32
          %mul3A_238 = arith.constant 16 : i32
          %mul3A_239 = arith.muli %add3A_237, %mul3A_238 : i32
          %get3A_240 = arith.index_cast %mul3A_239 : i32 to index
          %get3A_241 = tpu.vector_load %arg6[%get3A_240] {strides = array<i32>} : memref<4096xi32, #tpu.memory_space<vmem>>, vector<16xi32>,
          %gather3A_242 = tpu.vector_load_idx %arg5[%get3A_241] : memref<100000xf32, #tpu.memory_space<vmem>>[vector<16xi32>], vector<16xf32>,
          %mul3A_243 = arith.constant 16 : i32
          %mul3A_244 = arith.muli %add3A_237, %mul3A_243 : i32
          %swap3A_245 = arith.index_cast %mul3A_244 : i32 to index
          %swap3A_246 = tpu.vector_load %arg7[%swap3A_245] {strides = array<i32>} : memref<4096xf32, #tpu.memory_space<vmem>>, vector<16xf32>,
          tpu.vector_store %arg7[%swap3A_245], %gather3A_242 {strides = array<i32>} : memref<4096xf32, #tpu.memory_space<vmem>>, vector<16xf32>,
          %scan3A_247 = arith.constant 13 : i32
          %scan3A_248 = arith.addi %scan3A_56, %scan3A_247 : i32
          %mul3A_249 = arith.constant 1 : i32
          %mul3A_250 = arith.muli %scan3A_248, %mul3A_249 : i32
          %add3A_251 = arith.constant 0 : i32
          %add3A_252 = arith.addi %add3A_251, %mul3A_250 : i32
          %mul3A_253 = arith.constant 16 : i32
          %mul3A_254 = arith.muli %add3A_252, %mul3A_253 : i32
          %get3A_255 = arith.index_cast %mul3A_254 : i32 to index
          %get3A_256 = tpu.vector_load %arg6[%get3A_255] {strides = array<i32>} : memref<4096xi32, #tpu.memory_space<vmem>>, vector<16xi32>,
          %gather3A_257 = tpu.vector_load_idx %arg5[%get3A_256] : memref<100000xf32, #tpu.memory_space<vmem>>[vector<16xi32>], vector<16xf32>,
          %mul3A_258 = arith.constant 16 : i32
          %mul3A_259 = arith.muli %add3A_252, %mul3A_258 : i32
          %swap3A_260 = arith.index_cast %mul3A_259 : i32 to index
          %swap3A_261 = tpu.vector_load %arg7[%swap3A_260] {strides = array<i32>} : memref<4096xf32, #tpu.memory_space<vmem>>, vector<16xf32>,
          tpu.vector_store %arg7[%swap3A_260], %gather3A_257 {strides = array<i32>} : memref<4096xf32, #tpu.memory_space<vmem>>, vector<16xf32>,
          %scan3A_262 = arith.constant 14 : i32
          %scan3A_263 = arith.addi %scan3A_56, %scan3A_262 : i32
          %mul3A_264 = arith.constant 1 : i32
          %mul3A_265 = arith.muli %scan3A_263, %mul3A_264 : i32
          %add3A_266 = arith.constant 0 : i32
          %add3A_267 = arith.addi %add3A_266, %mul3A_265 : i32
          %mul3A_268 = arith.constant 16 : i32
          %mul3A_269 = arith.muli %add3A_267, %mul3A_268 : i32
          %get3A_270 = arith.index_cast %mul3A_269 : i32 to index
          %get3A_271 = tpu.vector_load %arg6[%get3A_270] {strides = array<i32>} : memref<4096xi32, #tpu.memory_space<vmem>>, vector<16xi32>,
          %gather3A_272 = tpu.vector_load_idx %arg5[%get3A_271] : memref<100000xf32, #tpu.memory_space<vmem>>[vector<16xi32>], vector<16xf32>,
          %mul3A_273 = arith.constant 16 : i32
          %mul3A_274 = arith.muli %add3A_267, %mul3A_273 : i32
          %swap3A_275 = arith.index_cast %mul3A_274 : i32 to index
          %swap3A_276 = tpu.vector_load %arg7[%swap3A_275] {strides = array<i32>} : memref<4096xf32, #tpu.memory_space<vmem>>, vector<16xf32>,
          tpu.vector_store %arg7[%swap3A_275], %gather3A_272 {strides = array<i32>} : memref<4096xf32, #tpu.memory_space<vmem>>, vector<16xf32>,
          %scan3A_277 = arith.constant 15 : i32
          %scan3A_278 = arith.addi %scan3A_56, %scan3A_277 : i32
          %mul3A_279 = arith.constant 1 : i32
          %mul3A_280 = arith.muli %scan3A_278, %mul3A_279 : i32
          %add3A_281 = arith.constant 0 : i32
          %add3A_282 = arith.addi %add3A_281, %mul3A_280 : i32
          %mul3A_283 = arith.constant 16 : i32
          %mul3A_284 = arith.muli %add3A_282, %mul3A_283 : i32
          %get3A_285 = arith.index_cast %mul3A_284 : i32 to index
          %get3A_286 = tpu.vector_load %arg6[%get3A_285] {strides = array<i32>} : memref<4096xi32, #tpu.memory_space<vmem>>, vector<16xi32>,
          %gather3A_287 = tpu.vector_load_idx %arg5[%get3A_286] : memref<100000xf32, #tpu.memory_space<vmem>>[vector<16xi32>], vector<16xf32>,
          %mul3A_288 = arith.constant 16 : i32
          %mul3A_289 = arith.muli %add3A_282, %mul3A_288 : i32
          %swap3A_290 = arith.index_cast %mul3A_289 : i32 to index
          %swap3A_291 = tpu.vector_load %arg7[%swap3A_290] {strides = array<i32>} : memref<4096xf32, #tpu.memory_space<vmem>>, vector<16xf32>,
          tpu.vector_store %arg7[%swap3A_290], %gather3A_287 {strides = array<i32>} : memref<4096xf32, #tpu.memory_space<vmem>>, vector<16xf32>,
        }
        %scan3A_53 = arith.constant 256 : i32
        %mul3A_54 = arith.constant 4096 : i32
        %mul3A_55 = arith.muli %scan3A_46, %mul3A_54 : i32
        "tpu.region"() ({
          %run_scoped3A = tpu.sem_alloc : memref<!tpu.dma_semaphore, #tpu.memory_space<semaphore_mem>>
          %dma_start3A = tpu.memref_slice %arg4[%add3A_9, %mul3A_55] : memref<416x16384xf32, #tpu.memory_space<hbm>> -> memref<1x4096xf32, #tpu.memory_space<hbm>>
          %dma_start3A_56 = tpu.memref_squeeze %dma_start3A : memref<1x4096xf32, #tpu.memory_space<hbm>> -> memref<4096xf32, #tpu.memory_space<hbm>>
          %dma_start3A_57 = tpu.memref_slice %arg4[%add3A_9, %mul3A_55] : memref<416x16384xf32, #tpu.memory_space<hbm>> -> memref<1x4096xf32, #tpu.memory_space<hbm>>
          %dma_start3A_58 = tpu.memref_squeeze %dma_start3A_57 : memref<1x4096xf32, #tpu.memory_space<hbm>> -> memref<4096xf32, #tpu.memory_space<hbm>>
          tpu.enqueue_dma source(%arg7 : memref<4096xf32, #tpu.memory_space<vmem>>) target(%dma_start3A_58 : memref<4096xf32, #tpu.memory_space<hbm>>) target_semaphore(%run_scoped3A : memref<!tpu.dma_semaphore, #tpu.memory_space<semaphore_mem>>)
          %dma_wait3A = tpu.memref_slice %arg4[%add3A_9, %mul3A_55] : memref<416x16384xf32, #tpu.memory_space<hbm>> -> memref<1x4096xf32, #tpu.memory_space<hbm>>
          %dma_wait3A_59 = tpu.memref_squeeze %dma_wait3A : memref<1x4096xf32, #tpu.memory_space<hbm>> -> memref<4096xf32, #tpu.memory_space<hbm>>
          %dma_wait3A_60 = tpu.memref_slice %arg4[%add3A_9, %mul3A_55] : memref<416x16384xf32, #tpu.memory_space<hbm>> -> memref<1x4096xf32, #tpu.memory_space<hbm>>
          %dma_wait3A_61 = tpu.memref_squeeze %dma_wait3A_60 : memref<1x4096xf32, #tpu.memory_space<hbm>> -> memref<4096xf32, #tpu.memory_space<hbm>>
          tpu.wait_dma2 semaphore(%run_scoped3A : memref<!tpu.dma_semaphore, #tpu.memory_space<semaphore_mem>>) src(%arg7 : memref<4096xf32, #tpu.memory_space<vmem>>) dst(%dma_wait3A_61 : memref<4096xf32, #tpu.memory_space<hbm>>)
          tpu.yield
        }) : () -> ()
      }
      %scan3A_45 = arith.constant 4 : i32
    }
    %scan3A_5 = arith.constant 13 : i32
    return
  }
}

</mosaic_0001>

<sc_bundles>
// kernel: kernel.3.cloned.1.call-start
scs
__scs_entry_jumppad:
0x0: {  	(pc) =	sbr.rel $0x88, $3  }
0x1: {  	(tag) =	ssettag $0x0;
	lr =	simm.s32 $0x1  }
0x2: {  	[smem:$0x3F9F] =	sst lr;
	_ =	strace $0xD0000000  }
0x3: {  	_ = 	snop  }
0x4: {  	_ = 	snop  }
0x5: {  	_ = 	snop  }
0x6: {  	_ = 	snop  }
0x7: {  	_ = 	snop  }
__scs_overlays_trampoline_lowered:
0x8: {  	[smem:$0x3FAE] =	sst s0  }
0x9: {  	[smem:$0x3FAF] =	sst s1  }
0xa: {  	[smem:$0x3FB0] =	sst s2  }
0xb: {  	[smem:$0x3FB1] =	sst s3  }
0xc: {  	[smem:$0x3FB2] =	sst s4  }
0xd: {  	[smem:$0x3FB3] =	sst s5  }
0xe: {  	[smem:$0x3FB4] =	sst s6  }
0xf: {  	[smem:$0x3FB5] =	sst s7  }
0x10: {  	[smem:$0x3FB6] =	sst s8  }
0x11: {  	[smem:$0x3FB7] =	sst s9;
	s0 =	simm.s32 @!p0 $0x0  }
0x12: {  	s1 =	sld [smem:$0x3F9D];
	s0 =	simm.s32 @p0 $0x1  }
0x13: {  	[smem:$0x3FB8] =	sst s0;
	s0 =	simm.s32 @!p1 $0x0  }
0x14: {  	s2 =	sld [smem:$0x3F9C];
	s0 =	simm.s32 @p1 $0x1  }
0x15: {  	[smem:$0x3FB9] =	sst s0;
	s0 =	simm.s32 @!p2 $0x0  }
0x16: {  	s3 =	sld [smem:$0x3FDB];
	s0 =	simm.s32 @p2 $0x1  }
0x17: {  	s4 =	simm.s32 $0x1BF5;
	[smem:$0x3FBB] =	sst s0  }
0x18: {  	s0 =	sld [smem:$0x3F9E];
	_ =	swait.ge [sflag:s4], $0x0  }
0x19: {  	s7 =	sld [smem:$0x3F9F]  }
0x1a: {  	s8 =	sadd.s32 $0xFFFFE003, lr  }
0x1b: {  	s9 =	sadd.s32 $0xFFFFFEF7, lr;
	s5 =	simm.s32 $0xFFFFFFFF;
	p2 =	slt.u32 s8, $0xFFFFF086  }
0x1c: {  	p1 =	slt.u32 s9, $0xF7A;
	s5 =	simm.s32 @!p2 $0x0  }
0x1d: {  	s5 =	simm.s32 @p1 $0x1;
	p0 =	seq.s32 s7, s2  }
0x1e: {  	s7 =	smul.u32 @!p0 $0xF7A, s2;
	p2 =	seq.s32 @!p0 s5, $0x0  }
0x1f: {  	s9 =	smul.u32 $0xF7A, s1;
	s8 =	simm.s32 @!p0 $0x1BF5;
	p2 =	por !p2, p0  }
0x20: {  	[sflag:s8] =	ssyncset.s32 @!p0 $0xFFFFF086;
	s6 =	sadd.s32 @!p0 s3, s7;
	s7 =	simm.s32 @!p0 $0x108  }
0x21: {  	s3 =	sadd.s32 s3, s9;
	s6 =	sadd.s32 @!p0 $0x88, s6;
	s7 =	simm.s32 @p2 $0x1082  }
0x22: {  	[simem:s7], [sflag:s8] =	dma.local @!p0 [hbm:s6], $0xF7A  }
0x23: {  	s9 =	sor.u32 $0xD0000000, s2;
	s6 =	simm.s32 $0x108;
	_ =	swait.ge @!p0 [sflag:s8], $0x0  }
0x24: {  	s3 =	sadd.s32 $0x88, s3;
	s6 =	simm.s32 @!p1 $0x1082;
	[sflag:s4] =	ssyncset.s32 $0xFFFFF086  }
0x25: {  	[simem:s6], [sflag:s4] =	dma.local [hbm:s3], $0xF7A  }
0x26: {  	[smem:$0x3F9F] =	sst s1;
	(tag) =	ssettag s2;
	_ =	strace s9  }
0x27: {  	s1 =	sld [smem:$0x3FAF]  }
0x28: {  	s2 =	sld [smem:$0x3FB0]  }
0x29: {  	s4 =	sld [smem:$0x3FB2]  }
0x2a: {  	p0 =	seq.s32 s5, $0x0;
	s5 =	sld [smem:$0x3FB3]  }
0x2b: {  	s6 =	sld [smem:$0x3FB4]  }
0x2c: {  	s7 =	sld [smem:$0x3FB5]  }
0x2d: {  	s3 =	simm.s32 $0x108;
	s8 =	sld [smem:$0x3FB6]  }
0x2e: {  	s3 =	simm.s32 @!p0 $0x1082;
	s9 =	sld [smem:$0x3FB7]  }
0x2f: {  	lr =	sadd.s32 s0, s3;
	s0 =	sld [smem:$0x3FAE]  }
0x30: {  	s3 =	sld [smem:$0x3FB1]  }
0x31: {  	[smem:$0x3FBA] =	sst s10  }
0x32: {  	s10 =	sld [smem:$0x3FB8];
	_ =	sdelay $0x3  }
0x33: {  	p0 =	seq.s32 s10, $0x1;
	s10 =	sld [smem:$0x3FBA];
	_ =	sdelay $0x3  }
0x34: {  	[smem:$0x3FBA] =	sst s10  }
0x35: {  	s10 =	sld [smem:$0x3FB9];
	_ =	sdelay $0x3  }
0x36: {  	p1 =	seq.s32 s10, $0x1;
	s10 =	sld [smem:$0x3FBA];
	_ =	sdelay $0x3  }
0x37: {  	[smem:$0x3FBA] =	sst s10  }
0x38: {  	s10 =	sld [smem:$0x3FBB]  }
0x39: {  	_ = 	snop;
	(pc) =	sbr.ind lr, $3  }
0x3a: {  	_ = 	snop  }
0x3b: {  	_ = 	snop  }
0x3c: {  	p2 =	seq.s32 s10, $0x1;
	s10 =	sld [smem:$0x3FBA]  }
0x3d: {  	_ =	shalt  }
0x3e: {  	_ =	shalt  }
0x3f: {  	_ =	shalt  }
0x40: {  	_ =	shalt  }
0x41: {  	_ =	shalt  }
0x42: {  	_ =	shalt  }
0x43: {  	_ =	shalt  }
0x44: {  	_ =	shalt  }
0x45: {  	_ =	shalt  }
0x46: {  	_ =	shalt  }
0x47: {  	_ =	shalt  }
0x48: {  	_ =	shalt  }
0x49: {  	_ =	shalt  }
0x4a: {  	_ =	shalt  }
0x4b: {  	_ =	shalt  }
0x4c: {  	_ =	shalt  }
0x4d: {  	_ =	shalt  }
0x4e: {  	_ =	shalt  }
0x4f: {  	_ =	shalt  }
0x50: {  	_ =	shalt  }
0x51: {  	_ =	shalt  }
0x52: {  	_ =	shalt  }
0x53: {  	_ =	shalt  }
0x54: {  	_ =	shalt  }
0x55: {  	_ =	shalt  }
0x56: {  	_ =	shalt  }
0x57: {  	_ =	shalt  }
0x58: {  	_ =	shalt  }
0x59: {  	_ =	shalt  }
0x5a: {  	_ =	shalt  }
0x5b: {  	_ =	shalt  }
0x5c: {  	_ =	shalt  }
0x5d: {  	_ =	shalt  }
0x5e: {  	_ =	shalt  }
0x5f: {  	_ =	shalt  }
0x60: {  	_ =	shalt  }
0x61: {  	_ =	shalt  }
0x62: {  	_ =	shalt  }
0x63: {  	_ =	shalt  }
0x64: {  	_ =	shalt  }
0x65: {  	_ =	shalt  }
0x66: {  	_ =	shalt  }
0x67: {  	_ =	shalt  }
0x68: {  	_ =	shalt  }
0x69: {  	_ =	shalt  }
0x6a: {  	_ =	shalt  }
0x6b: {  	_ =	shalt  }
0x6c: {  	_ =	shalt  }
0x6d: {  	_ =	shalt  }
0x6e: {  	_ =	shalt  }
0x6f: {  	_ =	shalt  }
0x70: {  	_ =	shalt  }
0x71: {  	_ =	shalt  }
0x72: {  	_ =	shalt  }
0x73: {  	_ =	shalt  }
0x74: {  	_ =	shalt  }
0x75: {  	_ =	shalt  }
0x76: {  	_ =	shalt  }
0x77: {  	_ =	shalt  }
0x78: {  	_ =	shalt  }
0x79: {  	_ =	shalt  }
0x7a: {  	_ =	shalt  }
0x7b: {  	_ =	shalt  }
0x7c: {  	_ =	shalt  }
0x7d: {  	_ =	shalt  }
0x7e: {  	_ =	shalt  }
0x7f: {  	_ =	shalt  }
0x80: {  	_ =	shalt  }
0x81: {  	_ =	shalt  }
0x82: {  	_ =	shalt  }
0x83: {  	_ =	shalt  }
0x84: {  	_ =	shalt  }
0x85: {  	_ =	shalt  }
0x86: {  	_ =	shalt  }
0x87: {  	_ =	shalt  }
.Lfunc_end0:
.L_simem_size_0:
called_computation_lowered:
.L_overlay_start_0:
0x88: {  	s2 =	sld [smem:$0x3FD9]  }
0x89: {  	s3 =	sld [smem:$0x3FFE];
	_ =	sdelay $0x1  }
0x8a: {  	s1 =	srdreg.scid  }
0x8b: {  	s0 =	sand.u32 $0x1, s1  }
0x8c: {  	s18 =	sshll.u32 s0, $0xA;
	s2 =	sadd.s32 s3, s2  }
0x8d: {  	s2 =	sadd.s32 s2, s18  }
0x8e: {  	[smem:$0x3FC6] =	sst s2  }
0x8f: {  	_ = 	snop  }
0x90: {  	s2 =	sld [smem:$0x3FC9]  }
0x91: {  	s19 =	sld [smem:$0x3FC8]  }
0x92: {  	s4 =	sld [smem:$0x3FD0];
	(tm) =	ssettm $0x1  }
0x93: {  	s5 =	sld [smem:$0x3FFB];
	_ =	sdelay $0x3  }
0x94: {  	_ =	strace s5  }
0x95: {  	s5 =	sld [smem:$0x3FFC];
	_ =	sdelay $0x3  }
0x96: {  	_ =	strace s5  }
0x97: {  	s5 =	sld [smem:$0x3FFD];
	_ =	sdelay $0x3  }
0x98: {  	_ =	strace s5  }
0x99: {  	_ =	strace $0x8FFFFFFF  }
0x9a: {  	s20 =	sld [smem:$0x3FDB];
	_ =	sdelay $0x1  }
0x9b: {  	s6 =	simm.s32 $_scs_section_size  }
0x9c: {  	s7 =	simm.s32 $_size__tile_overlayer_lowered;
	s8 =	simm.s32 $_tile_overlayer_lowered  }
0x9d: {  	s23 =	simm.s32 $0x1BFF;
	s22 =	sshll.u32 s8, $0x1;
	s5 =	sadd.s32 s6, s20  }
0x9e: {  	s9 =	simm.s32 $0x0;
	s21 =	sshll.u32 s7, $0x1;
	s7 =	sadd.s32 s22, s5  }
0x9f: {  	[timem:s9], [sflag:s23] =	dma.local [hbm:s7], s21  }
0xa0: {  	_ =	swait.ge [sflag:s23], s21  }
0xa1: {  	s6 =	ssub.s32 $0x0, s21;
	[sflag:s23] =	ssyncset.done $0x0  }
0xa2: {  	[sflag:s23] =	ssyncadd.s32 s6;
	_ =	sdelay $0x1  }
0xa3: {  	s24 =	simm.s32 $0x1B8B  }
0xa4: {  	_ =	swait.ge [sflag:s24], $0x1  }
0xa5: {  	[sflag:s24] =	ssyncset.done $0x0  }
0xa6: {  	s25 =	simm.s32 $0x1B8E;
	[sflag:s24] =	ssyncadd.s32 $0xFFFFFFFF  }
0xa7: {  	s26 =	simm.s32 $execute0_lowered;
	[smem:$0x3FD2] =	sst s25  }
0xa8: {  	s6 =	sshll.u32 s26, $0x1;
	_ =	strace $0x80000046;
	[dreg:$0x1] =	wrdreg $0xFFFFFFFF  }
0xa9: {  	s28 =	simm.s32 $_size_execute0_lowered;
	s5 =	sadd.s32 s5, s6;
	[dreg:$0x0] =	wrdreg $0x0  }
0xaa: {  	s6 =	sshll.u32 s28, $0x1;
	[dreg:$0x2] =	wrdreg s5  }
0xab: {  	[dreg:$0x3] =	wrdreg s6  }
0xac: {  	[dreg:$0x4] =	wrdreg $0xC0  }
0xad: {  	_ =	task [dreg:s9], $0x5FFFF  }
0xae: {  	[dreg:$0x1] =	wrdreg $0xFFFFFFFF  }
0xaf: {  	[dreg:$0x0] =	wrdreg $0x60  }
0xb0: {  	[dreg:$0x2] =	wrdreg s19  }
0xb1: {  	[dreg:$0x3] =	wrdreg s2  }
0xb2: {  	[dreg:$0x4] =	wrdreg s4  }
0xb3: {  	[dreg:$0x5] =	wrdreg $0x9  }
0xb4: {  	_ =	task.clear_ibuf [dreg:s9], $0x6FFFF;
	_ =	strace $0x90000046  }
0xb5: {  	s29 =	simm.s32 $0x9;
	_ =	strace $0x80000048  }
0xb6: {  	_ =	swait.ge [sflag:s29], $0x1  }
0xb7: {  	[sflag:s29] =	ssyncadd.s32 $0xFFFFFFFF  }
0xb8: {  	_ =	strace $0x90000048  }
0xb9: {  	_ =	sfence  }
0xba: {  	s30 =	sld [smem:$0x0];
	_ =	sdelay $0x2  }
0xbb: {  	s31 =	sshll.u32 s1, $0xD;
	s1 =	sshrl.u32 s1, $0x2  }
0xbc: {  	s3 =	sand.u32 $0x4000, s31;
	s1 =	sadd.s32 s1, s30  }
0xbd: {  	s0 =	sor.u32 s3, s0;
	s1 =	sshll.u32 s1, $0x11  }
0xbe: {  	s0 =	sor.u32 s1, s0  }
0xbf: {  	s0 =	sadd.s32 $0x8F2B, s0  }
0xc0: {  	[sflag:s0] =	ssyncadd.remote.s32 $0x1  }
0xc1: {  	_ =	sfence.sel $0xFFFF  }
0xc2: {  	[dreg:$0x0] =	wrdreg $0xFFFFFFFF;
	(pc) =	sbr.abs _section_cstart, $3  }
0xc3: {  	[dreg:$0x1] =	wrdreg $0xFFFFFFFF  }
0xc4: {  	_ =	task.clear_ibuf [dreg:s9], $0x2FFFF;
	_ =	strace $0x9FFFFFFF  }
0xc5: {  	(tm) =	ssettm $0x7FFFFFFF  }
tec
execute0_lowered:
.L_overlay_start_1:
0x0: {  	(tag) =	ssettag $0x1  }
0x1: {  	s1 =	rddreg [dreg:$0x0]  }
0x2: {  	s2 =	rddreg [dreg:$0x1];
	s0 =	srdreg.scid  }
0x3: {  	s4 =	rddreg [dreg:$0x2];
	s3 =	stileid.u32  }
0x4: {  	s5 =	simm.s32 $0x0;
	s10 =	simm.s32 $0x1;
	s11 =	simm.s32 $0x18700  }
0x5: {  	s12 =	simm.s32 $0x19700;
	s13 =	simm.s32 $0x0;
	s6 =	sand.u32 $0x1, s0  }
0x6: {  	s0 =	rddreg [dreg:$0x3];
	s9 =	sshll.u32 s3, $0x1;
	s7 =	ssub.s32 $0x2, s6  }
0x7: {  	[smem:$0x7FF] =	sst s5;
	s6 =	sor.u32 s6, s9;
	s8 =	sshrl.u32 s7, $0x1  }
0x8: {  	_ =	strace $0x80000047;
	s9 =	simm.s32 $0x400;
	s7 =	ssub.s32 s7, s8  }
0x9: {  	s6 =	smul.u32 $0xD, s6;
	s8 =	simm.s32 $0x80;
	s7 =	smax.u32 s7, $0x1  }
.LBB2_1:
0xa: {  	s14 =	simm.s32 $0x0  }
.LBB2_2:
0xb: {  	s16 =	sadd.s32 s6, s14  }
0xc: {  	s15 =	sshrl.u32 s16, $0x4;
	s17 =	sshll.u32 s16, $0x1C  }
0xd: {  	s15 =	smul.u32 $0x187000, s15;
	s17 =	sshra.s32 s17, $0x1F  }
0xe: {  	s18 =	sshll.u32 s16, $0x7;
	s17 =	sand.u32 $0xC3800, s17  }
0xf: {  	s29 =	sand.u32 $0x380, s18;
	s15 =	sadd.s32 s15, s17  }
0x10: {  	s15 =	sor.u32 s29, s15  }
0x11: {  	s31 =	sshll.u32 s16, $0x3;
	s15 =	sshrl.u32 s15, $0x3  }
0x12: {  	s19 =	sshll.u32 s16, $0xA;
	s30 =	sadd.s32 s1, s15;
	s15 =	simm.s32 $0x0  }
0x13: {  	[tilespmem:s15], [sflag:$0x1] =	stream.strided.gather [hbm4b:s30+s8], $0x18700, s9, s8, $0x38;
	[tilespmem:$0x1A700] =	vst v63  }
0x14: {  	s16 =	sshll.u32 s16, $0xE;
	s18 =	sand.u32 $0x380, s31;
	_ =	swait.ge [sflag:s10], $0x18700  }
0x15: {  	s19 =	sand.u32 $0x7FFE0000, s19;
	s20 =	sand.u32 $0x7FFE0000, s16;
	[sflag:s10] =	ssyncset.done $0x0  }
0x16: {  	s16 =	sor.u32 s18, s19;
	s17 =	sor.u32 s29, s20;
	[sflag:s10] =	ssyncadd.s32 $0xFFFE7900  }
.LBB2_3:
0x17: {  	s18 =	sshll.u32 s15, $0xF  }
0x18: {  	s19 =	sor.u32 s18, s16  }
0x19: {  	s19 =	sshrl.u32 s19, $0x3  }
0x1a: {  	s19 =	sadd.s32 s2, s19  }
0x1b: {  	[tilespmem:s11], [sflag:$0x1] =	stream.strided.gather [hbm4b:s19+s8], $0x1000, s9, s8, $0x38;
	[tilespmem:$0x1A700] =	vst v63  }
0x1c: {  	_ =	swait.ge [sflag:s10], $0x1000  }
0x1d: {  	s20 =	simm.s32 $0x19780;
	[sflag:s10] =	ssyncset.done $0x0  }
0x1e: {  	s21 =	simm.s32 $0x18780;
	s19 =	simm.s32 $0xFFFFFFF0;
	[sflag:s10] =	ssyncadd.s32 $0xFFFFF000  }
.LBB2_4:
0x1f: {  	v0 =	vld [tilespmem:s21+$0xFFFFFF80];
	_ =	sdelay $0x7  }
0x20: {  	v0 =	vld.idx.msk [tilespmem:v0+s5+$0x0], $0xffff;
	_ =	sdelay $0x4  }
0x21: {  	[tilespmem:s20+$0xFFFFFF80] =	vst v0  }
0x22: {  	v0 =	vld [tilespmem:s21+$0xFFFFFF90];
	_ =	sdelay $0x7  }
0x23: {  	v0 =	vld.idx.msk [tilespmem:v0+s5+$0x0], $0xffff;
	_ =	sdelay $0x4  }
0x24: {  	[tilespmem:s20+$0xFFFFFF90] =	vst v0  }
0x25: {  	v0 =	vld [tilespmem:s21+$0xFFFFFFA0];
	_ =	sdelay $0x7  }
0x26: {  	v0 =	vld.idx.msk [tilespmem:v0+s5+$0x0], $0xffff;
	_ =	sdelay $0x4  }
0x27: {  	[tilespmem:s20+$0xFFFFFFA0] =	vst v0  }
0x28: {  	v0 =	vld [tilespmem:s21+$0xFFFFFFB0];
	_ =	sdelay $0x7  }
0x29: {  	v0 =	vld.idx.msk [tilespmem:v0+s5+$0x0], $0xffff;
	_ =	sdelay $0x4  }
0x2a: {  	[tilespmem:s20+$0xFFFFFFB0] =	vst v0  }
0x2b: {  	v0 =	vld [tilespmem:s21+$0xFFFFFFC0];
	_ =	sdelay $0x7  }
0x2c: {  	v0 =	vld.idx.msk [tilespmem:v0+s5+$0x0], $0xffff;
	_ =	sdelay $0x4  }
0x2d: {  	[tilespmem:s20+$0xFFFFFFC0] =	vst v0  }
0x2e: {  	v0 =	vld [tilespmem:s21+$0xFFFFFFD0];
	_ =	sdelay $0x7  }
0x2f: {  	v0 =	vld.idx.msk [tilespmem:v0+s5+$0x0], $0xffff;
	_ =	sdelay $0x4  }
0x30: {  	[tilespmem:s20+$0xFFFFFFD0] =	vst v0  }
0x31: {  	v0 =	vld [tilespmem:s21+$0xFFFFFFE0];
	_ =	sdelay $0x7  }
0x32: {  	v0 =	vld.idx.msk [tilespmem:v0+s5+$0x0], $0xffff;
	_ =	sdelay $0x4  }
0x33: {  	[tilespmem:s20+$0xFFFFFFE0] =	vst v0  }
0x34: {  	v0 =	vld [tilespmem:s21+$0xFFFFFFF0];
	_ =	sdelay $0x7  }
0x35: {  	v0 =	vld.idx.msk [tilespmem:v0+s5+$0x0], $0xffff;
	_ =	sdelay $0x4  }
0x36: {  	[tilespmem:s20+$0xFFFFFFF0] =	vst v0  }
0x37: {  	v0 =	vld [tilespmem:s21+$0x0];
	_ =	sdelay $0x7  }
0x38: {  	v0 =	vld.idx.msk [tilespmem:v0+s5+$0x0], $0xffff;
	_ =	sdelay $0x4  }
0x39: {  	[tilespmem:s20+$0x0] =	vst v0  }
0x3a: {  	v0 =	vld [tilespmem:s21+$0x10];
	_ =	sdelay $0x7  }
0x3b: {  	v0 =	vld.idx.msk [tilespmem:v0+s5+$0x0], $0xffff;
	_ =	sdelay $0x4  }
0x3c: {  	[tilespmem:s20+$0x10] =	vst v0  }
0x3d: {  	v0 =	vld [tilespmem:s21+$0x20];
	_ =	sdelay $0x7  }
0x3e: {  	v0 =	vld.idx.msk [tilespmem:v0+s5+$0x0], $0xffff;
	_ =	sdelay $0x4  }
0x3f: {  	[tilespmem:s20+$0x20] =	vst v0  }
0x40: {  	v0 =	vld [tilespmem:s21+$0x30];
	_ =	sdelay $0x7  }
0x41: {  	v0 =	vld.idx.msk [tilespmem:v0+s5+$0x0], $0xffff;
	_ =	sdelay $0x4  }
0x42: {  	[tilespmem:s20+$0x30] =	vst v0  }
0x43: {  	v0 =	vld [tilespmem:s21+$0x40];
	_ =	sdelay $0x7  }
0x44: {  	v0 =	vld.idx.msk [tilespmem:v0+s5+$0x0], $0xffff;
	_ =	sdelay $0x4  }
0x45: {  	[tilespmem:s20+$0x40] =	vst v0  }
0x46: {  	v0 =	vld [tilespmem:s21+$0x50];
	_ =	sdelay $0x7  }
0x47: {  	v0 =	vld.idx.msk [tilespmem:v0+s5+$0x0], $0xffff;
	_ =	sdelay $0x4  }
0x48: {  	[tilespmem:s20+$0x50] =	vst v0  }
0x49: {  	v0 =	vld [tilespmem:s21+$0x60];
	_ =	sdelay $0x7  }
0x4a: {  	v0 =	vld.idx.msk [tilespmem:v0+s5+$0x0], $0xffff;
	_ =	sdelay $0x4  }
0x4b: {  	[tilespmem:s20+$0x60] =	vst v0  }
0x4c: {  	v0 =	vld [tilespmem:s21+$0x70];
	_ =	sdelay $0x6  }
0x4d: {  	s19 =	sadd.s32 $0x10, s19  }
0x4e: {  	p0 =	slt.u32 s19, $0xF0;
	v0 =	vld.idx.msk [tilespmem:v0+s5+$0x0], $0xffff  }
.Ltmp0:
0x4f: {  	_ = 	snop;
	(pc) =	sbr.rel @p0 .LBB2_4-.Ltmp0, $2  }
0x50: {  	_ =	sdelay $0x2  }
0x51: {  	s21 =	sadd.s32 $0x100, s21;
	[tilespmem:s20+$0x70] =	vst v0;
	s20 =	sadd.s32 $0x100, s20  }
0x52: {  	s18 =	sor.u32 s18, s17;
	s15 =	sadd.s32 $0x1, s15  }
0x53: {  	s18 =	sshrl.u32 s18, $0x3;
	p0 =	sne.s32 s15, $0x4  }
.Ltmp1:
0x54: {  	s18 =	sadd.s32 s4, s18;
	(pc) =	sbr.rel @p0 .LBB2_3-.Ltmp1, $4  }
0x55: {  	[hbm4b:s18+s8] =	stream.strided.scatter [tilespmem:s12], [sflag:$0x1], $0x1000, s9, s8, $0x38;
	[tilespmem:$0x1A700] =	vst v63  }
0x56: {  	_ =	swait.ge [sflag:s10], $0x1000  }
0x57: {  	[sflag:s10] =	ssyncset.done $0x0  }
0x58: {  	[sflag:s10] =	ssyncadd.s32 $0xFFFFF000  }
0x59: {  	s14 =	sadd.s32 $0x1, s14  }
0x5a: {  	p0 =	sne.s32 s14, $0xD  }
.Ltmp2:
0x5b: {  	_ = 	snop;
	(pc) =	sbr.rel @p0 .LBB2_2-.Ltmp2, $1  }
0x5c: {  	_ =	sdelay $0x3  }
0x5d: {  	s13 =	sadd.s32 $0x1, s13  }
0x5e: {  	p0 =	sne.s32 s13, s7  }
.Ltmp3:
0x5f: {  	_ = 	snop;
	(pc) =	sbr.rel @p0 .LBB2_1-.Ltmp3, $1  }
0x60: {  	_ =	sdelay $0x3  }
0x61: {  	_ =	sfence.sel $0x180000  }
0x62: {  	[bflag:$0x0] =	sbarrier.arrive $0xFFFF  }
0x63: {  	p0 =	sne.s32 s3, $0x0;
	_ =	strace $0x90000047  }
0x64: {  	s0 =	sadd.s32 @!p0 $0x100000, s0;
	[bflag:$0x2] =	sbarrier.arrive $0xFFFF  }
0x65: {  	[sflag:s0] =	ssyncadd.tile.s32 @!p0 $0x1;
	_ =	shalt  }
.Lfunc_end2:
_tile_overlayer_lowered:
.L_overlay_start_2:
0x66: {  	(tag) =	ssettag $0x2  }
0x67: {  	s0 =	rddreg [dreg:$0x0];
	s2 =	stileid.u32  }
0x68: {  	s1 =	rddreg [dreg:$0x1];
	p0 =	sne.s32 s2, $0x0  }
0x69: {  	s3 =	rddreg [dreg:$0x2];
	[bflag:$0x3] =	sbarrier.arrive $0xFFFF;
	s2 =	simm.s32 @!p0 $0x1C01  }
0x6a: {  	[timem:s3], [sflag:s2] =	dma.local @!p0 [hbm:s0], s1  }
0x6b: {  	s0 =	simm.s32 @!p0 $0x1  }
0x6c: {  	_ =	swait.ge @!p0 [sflag:s0], s1  }
0x6d: {  	s1 =	ssub.s32 @!p0 $0x0, s1;
	[sflag:s0] =	ssyncset.done @!p0 $0x0  }
0x6e: {  	[sflag:s0] =	ssyncadd.s32 @!p0 s1  }
0x6f: {  	[bflag:$0x3] =	sbarrier.arrive $0xFFFF  }
0x70: {  	_ =	shalt  }

</sc_bundles>
